<compile_context>
chip_gen: v7x
topology: tpu7x:2x2x1
jax: 0.10.2.dev20260603
libtpu: 0.0.44.dev20260713+nightly
codegen_flags: <defaults>
</compile_context>

<pallas_src>
import numpy as np

import jax
import jax.numpy as jnp
from jax.experimental import pallas as pl
from jax.experimental.pallas import tpu as pltpu

_B = 1024
_NBOX = 5
_PER = 25
_C = _NBOX * _PER
_HW = 169
_R = _B * _HW
_STEPS = 16
_BLK_R = _R // _STEPS
_LAMBDA_COORD = 5.0
_LAMBDA_NOOBJ = 0.5



def _patterns():
    c = np.arange(_C)
    box, k = c // _PER, c % _PER
    spread = np.zeros((_C, _C), np.float32)
    spread[box * _PER + 4, c] = 1.0
    p_me = np.zeros((_C, 128), np.float32)
    p_me[:, 0] = (k < 4)
    p_me[:, 1] = (k == 4)
    for b in range(_NBOX):
        p_me[:, 4 + b] = (box == b) & (k >= 5)
    p_err = np.zeros((_C, 128), np.float32)
    p_err[:, 2] = (k == 4)
    p_m = np.zeros((_C, 128), np.float32)
    p_m[:, 3] = (k == 4)
    for b in range(_NBOX):
        p_m[:, 9 + b] = (c == b * _PER + 4)
    return spread, p_me, p_err, p_m


_SPREAD, _P_ME, _P_ERR, _P_M = _patterns()


def _loss_body(det_ref, gt_ref, spread_ref, pme_ref, perr_ref, pm_ref, acc_ref):
    step = pl.program_id(0)

    @pl.when(step == 0)
    def _init():
        acc_ref[...] = jnp.zeros_like(acc_ref)

    d = det_ref[...].astype(jnp.float32)
    g = gt_ref[...].astype(jnp.float32)
    err = (d - g) ** 2
    ones = (g == 1.0).astype(jnp.float32)
    mask = jnp.dot(ones, spread_ref[...])
    me = err * mask
    part = (
        jnp.dot(me, pme_ref[...])
        + jnp.dot(err, perr_ref[...])
        + jnp.dot(mask, pm_ref[...])
    )
    acc_ref[...] += jnp.sum(part, axis=0, keepdims=True)


@jax.jit
def _detection_loss(det, gt):
    det2 = (
        jnp.transpose(det.reshape(_B, _C, _HW), (0, 2, 1))
        .reshape(_R, _C)
        .astype(jnp.bfloat16)
    )
    gt2 = (
        jnp.transpose(gt.reshape(_B, _C, _HW), (0, 2, 1))
        .reshape(_R, _C)
        .astype(jnp.bfloat16)
    )
    data_spec = pl.BlockSpec((_BLK_R, _C), lambda i: (i, 0))
    const_spec = pl.BlockSpec((_C, _C), lambda i: (0, 0))
    pat_spec = pl.BlockSpec((_C, 128), lambda i: (0, 0))
    acc = pl.pallas_call(
        _loss_body,
        grid=(_STEPS,),
        in_specs=[data_spec, data_spec, const_spec, pat_spec, pat_spec, pat_spec],
        out_specs=pl.BlockSpec((1, 128), lambda i: (0, 0)),
        out_shape=jax.ShapeDtypeStruct((1, 128), jnp.float32),
    )(det2, gt2, _SPREAD, _P_ME, _P_ERR, _P_M)[0]

    cnt = acc[3]
    total = float(_R * _NBOX)
    coord = jnp.where(cnt > 0, acc[0] / cnt, 0.0)
    conf_obj = jnp.where(cnt > 0, acc[1] / cnt, 0.0)
    obj_loss = _LAMBDA_COORD * coord + conf_obj
    noobj_cnt = total - cnt
    no_obj_loss = _LAMBDA_NOOBJ * jnp.where(
        noobj_cnt > 0, (acc[2] - acc[1]) / noobj_cnt, 0.0
    )
    confidence = 0.0
    for b in range(_NBOX):
        cnt_b = acc[9 + b] * 20.0
        confidence = confidence + jnp.where(cnt_b > 0, acc[4 + b] / cnt_b, 0.0)
    loss = obj_loss + no_obj_loss + confidence
    return (loss, obj_loss, no_obj_loss, confidence)


def kernel(detection_result, gt_grid):
    return _detection_loss(detection_result, gt_grid)

# --- scband reference (transcript-rebuilt; emitter-appended) ---
"""Pipeline reference for scband-detection-loss-2937757630837 (READ-ONLY COPY).

The authoritative reference and input builder live on the scoring server;
editing this copy changes nothing except your own understanding.
"""

import jax, jax.numpy as jnp
import numpy as np

GRID = 13
NUM_CLASS = 20
BBOX = 5
B = 1024
C = 5 * (5 + NUM_CLASS)  # 125


def setup_inputs(seed: int = 0) -> dict:
    key = jax.random.key(seed)
    k1, k2, k3 = jax.random.split(key, 3)
    det = jax.random.normal(k1, (B, C, GRID, GRID), dtype=jnp.float32)
    gt = jax.random.uniform(k2, (B, C, GRID, GRID), dtype=jnp.float32)
    # Objectness channels (4, 29, 54, 79, 104) are exact 0/1 indicators,
    # ~10% positive, mimicking conver_label_to_grid output.
    obj = (jax.random.uniform(k3, (B, BBOX, GRID, GRID)) < 0.1).astype(jnp.float32)
    gt = gt.at[:, 4::25, :, :].set(obj)
    return {"detection_result": det, "gt_grid": gt}


def _mse(x, y):
    return (x - y) ** 2


def _masked_mean(err, mask):
    cnt = jnp.sum(mask)
    return jnp.where(cnt > 0, jnp.sum(err * mask) / cnt, 0.0)


def reference(detection_result, gt_grid):
    lambda_coord = 5.0
    lambda_noobj = 0.5

    # obj mask over the 5 anchor-box objectness channels: gt_grid[:, 4::25] == 1
    m = (gt_grid[:, 4::25, :, :] == 1).astype(jnp.float32)  # [B, 5, H, W]

    coord = 0.0
    for k in range(4):
        coord = coord + _masked_mean(
            _mse(detection_result[:, k::25, :, :], gt_grid[:, k::25, :, :]), m
        )
    conf_err = _mse(detection_result[:, 4::25, :, :], gt_grid[:, 4::25, :, :])
    conf_obj = _masked_mean(conf_err, m)
    obj_loss = lambda_coord * coord + conf_obj

    no_obj_loss = lambda_noobj * _masked_mean(conf_err, 1.0 - m)

    confidence = 0.0
    for box in range(0, C, BBOX + NUM_CLASS):  # 0, 25, 50, 75, 100
        mb = (gt_grid[:, box + 4, :, :] == 1).astype(jnp.float32)  # [B, H, W]
        err = _mse(
            detection_result[:, box + 5:box + 25, :, :],
            gt_grid[:, box + 5:box + 25, :, :],
        )  # [B, 20, H, W]
        cnt = jnp.sum(mb) * NUM_CLASS
        confidence = confidence + jnp.where(
            cnt > 0, jnp.sum(err * mb[:, None, :, :]) / cnt, 0.0
        )

    loss = obj_loss + no_obj_loss + confidence
    return (loss, obj_loss, no_obj_loss, confidence)

if __name__ == "__main__":
    import jax
    _d = setup_inputs()
    print(jax.jit(kernel)(*tuple(_d.values())))

</pallas_src>

<mosaic_0001>
module attributes {stable_mosaic.version = 14 : i64} {
  func.func @_loss_body(%arg0: i32, %arg1: memref<10816x125xbf16, #tpu.memory_space<vmem>>, %arg2: memref<10816x125xbf16, #tpu.memory_space<vmem>>, %arg3: memref<125x125xf32, #tpu.memory_space<vmem>>, %arg4: memref<125x128xf32, #tpu.memory_space<vmem>>, %arg5: memref<125x128xf32, #tpu.memory_space<vmem>>, %arg6: memref<125x128xf32, #tpu.memory_space<vmem>>, %arg7: memref<1x128xf32, #tpu.memory_space<vmem>>) attributes {dimension_semantics = [#tpu.dimension_semantics<arbitrary>], iteration_bounds = array<i64: 16>, scalar_prefetch = 0 : i64, scratch_operands = 0 : i64, tpu.core_type = #tpu.core_type<tc>, window_params = [{transform_indices = @transform_0, window_bounds = array<i64: 10816, 125>}, {transform_indices = @transform_1, window_bounds = array<i64: 10816, 125>}, {pipeline_mode = #tpu.pipeline_mode<synchronous>, transform_indices = @transform_2, window_bounds = array<i64: 125, 125>}, {pipeline_mode = #tpu.pipeline_mode<synchronous>, transform_indices = @transform_3, window_bounds = array<i64: 125, 128>}, {pipeline_mode = #tpu.pipeline_mode<synchronous>, transform_indices = @transform_4, window_bounds = array<i64: 125, 128>}, {pipeline_mode = #tpu.pipeline_mode<synchronous>, transform_indices = @transform_5, window_bounds = array<i64: 125, 128>}, {pipeline_mode = #tpu.pipeline_mode<synchronous>, transform_indices = @transform_6, window_bounds = array<i64: 1, 128>}]} {
    %eq3A = arith.constant 0 : i32
    %eq3A_0 = arith.cmpi eq, %arg0, %eq3A : i32
    %convert_element_type3A = arith.extui %eq3A_0 : i1 to i32
    %cond3A = arith.constant 0 : i32
    %cond3A_1 = arith.cmpi ne, %convert_element_type3A, %cond3A : i32
    scf.if %cond3A_1 {
      %broadcast_in_dim3A_41 = arith.constant 0.000000e+00 : f32
      %broadcast_in_dim3A_42 = vector.broadcast %broadcast_in_dim3A_41 : f32 to vector<1x128xf32>
      %swap3A_43 = arith.constant 0 : index
      %swap3A_44 = arith.constant 0 : index
      %swap3A_45 = vector.load %arg7[%swap3A_43, %swap3A_44] : memref<1x128xf32, #tpu.memory_space<vmem>>, vector<1x128xf32>
      tpu.vector_store %arg7[%swap3A_43, %swap3A_44], %broadcast_in_dim3A_42 {strides = array<i32>} : memref<1x128xf32, #tpu.memory_space<vmem>>, vector<1x128xf32>,
    } else {
    }
    %get3A = arith.constant 0 : index
    %get3A_2 = arith.constant 0 : index
    %get3A_3 = vector.load %arg1[%get3A, %get3A_2] : memref<10816x125xbf16, #tpu.memory_space<vmem>>, vector<10816x125xbf16>
    %convert_element_type3A_4 = arith.extf %get3A_3 : vector<10816x125xbf16> to vector<10816x125xf32>
    %get3A_5 = arith.constant 0 : index
    %get3A_6 = arith.constant 0 : index
    %get3A_7 = vector.load %arg2[%get3A_5, %get3A_6] : memref<10816x125xbf16, #tpu.memory_space<vmem>>, vector<10816x125xbf16>
    %convert_element_type3A_8 = arith.extf %get3A_7 : vector<10816x125xbf16> to vector<10816x125xf32>
    %sub3A = arith.subf %convert_element_type3A_4, %convert_element_type3A_8 : vector<10816x125xf32>
    %integer_pow3A = arith.mulf %sub3A, %sub3A : vector<10816x125xf32>
    %eq3A_9 = arith.constant 1.000000e+00 : f32
    %eq3A_10 = vector.broadcast %eq3A_9 : f32 to vector<10816x125xf32>
    %eq3A_11 = arith.cmpf oeq, %convert_element_type3A_8, %eq3A_10 : vector<10816x125xf32>
    %convert_element_type3A_12 = arith.extui %eq3A_11 : vector<10816x125xi1> to vector<10816x125xi32>
    %convert_element_type3A_13 = arith.sitofp %convert_element_type3A_12 : vector<10816x125xi32> to vector<10816x125xf32>
    %get3A_14 = arith.constant 0 : index
    %get3A_15 = arith.constant 0 : index
    %get3A_16 = vector.load %arg3[%get3A_14, %get3A_15] : memref<125x125xf32, #tpu.memory_space<vmem>>, vector<125x125xf32>
    %dot_general3A = arith.constant dense<0.000000e+00> : vector<10816x125xf32>
    %dot_general3A_17 = tpu.matmul %convert_element_type3A_13, %get3A_16, %dot_general3A {dimension_numbers = #tpu.dot_dimension_numbers<[1], [0], [0], [1], [0, 0, 1, 1], [], []>, transpose_lhs_hint = false} : vector<10816x125xf32>, vector<125x125xf32>, vector<10816x125xf32> -> vector<10816x125xf32>
    %mul3A = arith.mulf %integer_pow3A, %dot_general3A_17 : vector<10816x125xf32>
    %get3A_18 = arith.constant 0 : index
    %get3A_19 = arith.constant 0 : index
    %get3A_20 = vector.load %arg4[%get3A_18, %get3A_19] : memref<125x128xf32, #tpu.memory_space<vmem>>, vector<125x128xf32>
    %dot_general3A_21 = arith.constant dense<0.000000e+00> : vector<10816x128xf32>
    %dot_general3A_22 = tpu.matmul %mul3A, %get3A_20, %dot_general3A_21 {dimension_numbers = #tpu.dot_dimension_numbers<[1], [0], [0], [1], [0, 0, 1, 1], [], []>, transpose_lhs_hint = false} : vector<10816x125xf32>, vector<125x128xf32>, vector<10816x128xf32> -> vector<10816x128xf32>
    %get3A_23 = arith.constant 0 : index
    %get3A_24 = arith.constant 0 : index
    %get3A_25 = vector.load %arg5[%get3A_23, %get3A_24] : memref<125x128xf32, #tpu.memory_space<vmem>>, vector<125x128xf32>
    %dot_general3A_26 = arith.constant dense<0.000000e+00> : vector<10816x128xf32>
    %dot_general3A_27 = tpu.matmul %integer_pow3A, %get3A_25, %dot_general3A_26 {dimension_numbers = #tpu.dot_dimension_numbers<[1], [0], [0], [1], [0, 0, 1, 1], [], []>, transpose_lhs_hint = false} : vector<10816x125xf32>, vector<125x128xf32>, vector<10816x128xf32> -> vector<10816x128xf32>
    %add3A = arith.addf %dot_general3A_22, %dot_general3A_27 : vector<10816x128xf32>
    %get3A_28 = arith.constant 0 : index
    %get3A_29 = arith.constant 0 : index
    %get3A_30 = vector.load %arg6[%get3A_28, %get3A_29] : memref<125x128xf32, #tpu.memory_space<vmem>>, vector<125x128xf32>
    %dot_general3A_31 = arith.constant dense<0.000000e+00> : vector<10816x128xf32>
    %dot_general3A_32 = tpu.matmul %dot_general3A_17, %get3A_30, %dot_general3A_31 {dimension_numbers = #tpu.dot_dimension_numbers<[1], [0], [0], [1], [0, 0, 1, 1], [], []>, transpose_lhs_hint = false} : vector<10816x125xf32>, vector<125x128xf32>, vector<10816x128xf32> -> vector<10816x128xf32>
    %add3A_33 = arith.addf %add3A, %dot_general3A_32 : vector<10816x128xf32>
    %get3A_34 = arith.constant 0 : index
    %get3A_35 = arith.constant 0 : index
    %get3A_36 = vector.load %arg7[%get3A_34, %get3A_35] : memref<1x128xf32, #tpu.memory_space<vmem>>, vector<1x128xf32>
    %reduce_sum3A = arith.constant dense<0.000000e+00> : vector<128xf32>
    %reduce_sum3A_37 = vector.multi_reduction <add>, %add3A_33, %reduce_sum3A [0] : vector<10816x128xf32> to vector<128xf32>
    %broadcast_in_dim3A = vector.shape_cast %reduce_sum3A_37 : vector<128xf32> to vector<1x128xf32>
    %add3A_38 = arith.addf %get3A_36, %broadcast_in_dim3A : vector<1x128xf32>
    %swap3A = arith.constant 0 : index
    %swap3A_39 = arith.constant 0 : index
    %swap3A_40 = vector.load %arg7[%swap3A, %swap3A_39] : memref<1x128xf32, #tpu.memory_space<vmem>>, vector<1x128xf32>
    tpu.vector_store %arg7[%swap3A, %swap3A_39], %add3A_38 {strides = array<i32>} : memref<1x128xf32, #tpu.memory_space<vmem>>, vector<1x128xf32>,
    return
  }
  func.func @transform_0(%arg0: i32) -> (i32, i32) {
    %c0_i32 = arith.constant 0 : i32
    %c0_i32_0 = arith.constant 0 : i32
    return %arg0, %c0_i32 : i32, i32
  }
  func.func @transform_1(%arg0: i32) -> (i32, i32) {
    %c0_i32 = arith.constant 0 : i32
    %c0_i32_0 = arith.constant 0 : i32
    return %arg0, %c0_i32 : i32, i32
  }
  func.func @transform_2(%arg0: i32) -> (i32, i32) {
    %c0_i32 = arith.constant 0 : i32
    %c0_i32_0 = arith.constant 0 : i32
    %c0_i32_1 = arith.constant 0 : i32
    return %c0_i32, %c0_i32_0 : i32, i32
  }
  func.func @transform_3(%arg0: i32) -> (i32, i32) {
    %c0_i32 = arith.constant 0 : i32
    %c0_i32_0 = arith.constant 0 : i32
    %c0_i32_1 = arith.constant 0 : i32
    return %c0_i32, %c0_i32_0 : i32, i32
  }
  func.func @transform_4(%arg0: i32) -> (i32, i32) {
    %c0_i32 = arith.constant 0 : i32
    %c0_i32_0 = arith.constant 0 : i32
    %c0_i32_1 = arith.constant 0 : i32
    return %c0_i32, %c0_i32_0 : i32, i32
  }
  func.func @transform_5(%arg0: i32) -> (i32, i32) {
    %c0_i32 = arith.constant 0 : i32
    %c0_i32_0 = arith.constant 0 : i32
    %c0_i32_1 = arith.constant 0 : i32
    return %c0_i32, %c0_i32_0 : i32, i32
  }
  func.func @transform_6(%arg0: i32) -> (i32, i32) {
    %c0_i32 = arith.constant 0 : i32
    %c0_i32_0 = arith.constant 0 : i32
    %c0_i32_1 = arith.constant 0 : i32
    return %c0_i32, %c0_i32_0 : i32, i32
  }
}

</mosaic_0001>

<sc_bundles>
// kernel: sparse-core-data-format-call.1.cloned.1.call-start
scs
called_computation.1_lowered:
.L_overlay_start_0:
0x0: {  	s2 =	sld [smem:$0x3FD9]  }
0x1: {  	s3 =	sld [smem:$0x3FFE];
	_ =	sdelay $0x1  }
0x2: {  	s1 =	srdreg.scid  }
0x3: {  	s0 =	sand.u32 $0x1, s1  }
0x4: {  	s18 =	sshll.u32 s0, $0xA;
	s2 =	sadd.s32 s3, s2  }
0x5: {  	s2 =	sadd.s32 s2, s18  }
0x6: {  	[smem:$0x3FC6] =	sst s2  }
0x7: {  	_ = 	snop  }
0x8: {  	(tm) =	ssettm $0x1  }
0x9: {  	s19 =	sld [smem:$0x3FFB];
	_ =	sdelay $0x3  }
0xa: {  	_ =	strace s19  }
0xb: {  	s2 =	sld [smem:$0x3FFC];
	_ =	sdelay $0x3  }
0xc: {  	_ =	strace s2  }
0xd: {  	s2 =	sld [smem:$0x3FFD];
	_ =	sdelay $0x3  }
0xe: {  	_ =	strace s2  }
0xf: {  	_ =	strace $0x8FFFFFFF  }
0x10: {  	s20 =	sld [smem:$0x3FDB];
	_ =	sdelay $0x1  }
0x11: {  	s21 =	simm.s32 $_scs_section_size  }
0x12: {  	s4 =	simm.s32 $_size__tile_overlayer_lowered;
	s5 =	simm.s32 $_tile_overlayer_lowered  }
0x13: {  	s6 =	simm.s32 $0x1BFF;
	s22 =	sshll.u32 s5, $0x1;
	s3 =	sadd.s32 s21, s20  }
0x14: {  	s23 =	simm.s32 $0x0;
	s4 =	sshll.u32 s4, $0x1;
	s5 =	sadd.s32 s22, s3  }
0x15: {  	[timem:s23], [sflag:s6] =	dma.local [hbm:s5], s4  }
0x16: {  	_ =	swait.ge [sflag:s6], s4  }
0x17: {  	s4 =	ssub.s32 $0x0, s4;
	[sflag:s6] =	ssyncset.done $0x0  }
0x18: {  	[sflag:s6] =	ssyncadd.s32 s4;
	_ =	sdelay $0x1  }
0x19: {  	s24 =	simm.s32 $0x1B8B  }
0x1a: {  	_ =	swait.ge [sflag:s24], $0x1  }
0x1b: {  	[sflag:s24] =	ssyncset.done $0x0  }
0x1c: {  	[sflag:s24] =	ssyncadd.s32 $0xFFFFFFFF  }
0x1d: {  	s4 =	sld [smem:$0x0]  }
0x1e: {  	s5 =	sand.u32 $0xFFFFFFFE, s1  }
0x1f: {  	p0 =	sne.s32 s1, s5  }
0x20: {  	s5 =	sshll.u32 @p0 s5, $0xE  }
0x21: {  	s5 =	sadd.s32 @p0 $0x11B8D, s5;
	s6 =	sshll.u32 @p0 s4, $0x11  }
0x22: {  	s5 =	sor.u32 @p0 s6, s5  }
0x23: {  	[sflag:s5] =	ssyncadd.remote.s32 @p0 $0x1;
	_ =	sdelay $0x1  }
0x24: {  	s5 =	simm.s32 @p0 $0x1B8D  }
0x25: {  	_ =	swait.eq @p0 [sflag:s5], $0x1  }
0x26: {  	[sflag:s5] =	ssyncadd.s32 @p0 $0xFFFFFFFF  }
0x27: {  	s6 =	sshll.u32 @!p0 s1, $0xE  }
0x28: {  	s6 =	sor.u32 @!p0 $0x4000, s6;
	s5 =	simm.s32 @!p0 $0x1B8D  }
0x29: {  	s4 =	sshll.u32 @!p0 s4, $0x11;
	s6 =	sadd.s32 @!p0 $0x11B8D, s6;
	_ =	swait.eq @!p0 [sflag:s5], $0x1  }
0x2a: {  	s4 =	sor.u32 @!p0 s4, s6;
	[sflag:s5] =	ssyncadd.s32 @!p0 $0xFFFFFFFF  }
0x2b: {  	s26 =	simm.s32 $0x1B8E;
	s25 =	sld [smem:$0x3FFE];
	[sflag:s4] =	ssyncadd.remote.s32 @!p0 $0x1  }
0x2c: {  	s27 =	simm.s32 $execute0_lowered;
	[smem:$0x3FD2] =	sst s26  }
0x2d: {  	s5 =	sshll.u32 s27, $0x1;
	_ =	strace $0x80000049;
	[dreg:$0x1] =	wrdreg $0xFFFFFFFF  }
0x2e: {  	s28 =	simm.s32 $_size_execute0_lowered;
	s3 =	sadd.s32 s3, s5;
	[dreg:$0x0] =	wrdreg $0x0  }
0x2f: {  	s5 =	sshll.u32 s28, $0x1;
	[dreg:$0x2] =	wrdreg s3  }
0x30: {  	[dreg:$0x3] =	wrdreg s5  }
0x31: {  	[dreg:$0x4] =	wrdreg $0xC0  }
0x32: {  	_ =	task [dreg:s23], $0x5FFFF  }
0x33: {  	[dreg:$0x1] =	wrdreg $0xFFFFFFFF  }
0x34: {  	[dreg:$0x0] =	wrdreg $0x60  }
0x35: {  	[dreg:$0x2] =	wrdreg s25  }
0x36: {  	[dreg:$0x3] =	wrdreg $0xA  }
0x37: {  	_ =	task.clear_ibuf [dreg:s23], $0x4FFFF;
	_ =	strace $0x90000049  }
0x38: {  	s29 =	simm.s32 $0xA;
	_ =	strace $0x8000004B  }
0x39: {  	_ =	swait.ge [sflag:s29], $0x1  }
0x3a: {  	[sflag:s29] =	ssyncadd.s32 $0xFFFFFFFF  }
0x3b: {  	_ =	strace $0x9000004B  }
0x3c: {  	_ =	sfence  }
0x3d: {  	s30 =	sld [smem:$0x0];
	_ =	sdelay $0x2  }
0x3e: {  	s31 =	sshll.u32 s1, $0xD;
	s1 =	sshrl.u32 s1, $0x2  }
0x3f: {  	s4 =	sand.u32 $0x4000, s31;
	s1 =	sadd.s32 s1, s30  }
0x40: {  	s0 =	sor.u32 s4, s0;
	s1 =	sshll.u32 s1, $0x11  }
0x41: {  	s0 =	sor.u32 s1, s0  }
0x42: {  	s0 =	sadd.s32 $0x8F2B, s0  }
0x43: {  	[sflag:s0] =	ssyncadd.remote.s32 $0x1  }
0x44: {  	_ =	sfence.sel $0xFFFF  }
0x45: {  	[dreg:$0x0] =	wrdreg $0xFFFFFFFF;
	(pc) =	sbr.abs _section_cstart, $3  }
0x46: {  	[dreg:$0x1] =	wrdreg $0xFFFFFFFF  }
0x47: {  	_ =	task.clear_ibuf [dreg:s23], $0x2FFFF;
	_ =	strace $0x9FFFFFFF  }
0x48: {  	(tm) =	ssettm $0x7FFFFFFF  }
0x49: {  	_ =	shalt  }
tec
execute0_lowered:
.L_overlay_start_1:
0x0: {  	(tag) =	ssettag $0x1  }
0x1: {  	s0 =	stileid.u32  }
0x2: {  	s1 =	srdreg.scid;
	s6 =	rddreg [dreg:$0x0]  }
0x3: {  	s31 =	simm.s32 $0x2;
	s14 =	simm.s32 $0x0;
	s9 =	simm.s32 $0x80  }
0x4: {  	s10 =	simm.s32 $0x2C00;
	s2 =	sshll.u32 s0, $0x5;
	s1 =	sshll.u32 s1, $0x9  }
0x5: {  	s11 =	simm.s32 $0x0;
	s15 =	simm.s32 $0x0;
	s1 =	sor.u32 s2, s1  }
0x6: {  	s13 =	simm.s32 $0x0;
	s3 =	sshll.u32 s0, $0x1;
	s2 =	sand.u32 $0x380, s1  }
0x7: {  	s3 =	sand.u32 $0x6, s3;
	s1 =	rddreg [dreg:$0x1];
	s4 =	ssub.s32 $0x400, s2  }
0x8: {  	_ =	strace $0x8000004A;
	s7 =	ssub.s32 $0xA8, s3;
	s5 =	sand.u32 $0x380, s4  }
0x9: {  	s7 =	sshrl.u32 s7, $0x3;
	p0 =	sne.s32 s5, $0x0;
	s5 =	simm.s32 $0x1  }
.Ltmp0:
0xa: {  	s4 =	sshrl.u32 s4, $0xA;
	s5 =	simm.s32 @!p0 $0x0;
	(pc) =	sbr.rel .LBB1_1-.Ltmp0, $4  }
0xb: {  	s12 =	smov.u32 s3;
	s7 =	sadd.s32 $0x1, s7;
	s5 =	sadd.s32 s5, s4  }
0xc: {  	s8 =	sshll.u32 s2, $0x3;
	s4 =	simm.s32 $0x1;
	s5 =	smul.u32 s7, s5  }
0xd: {  	s8 =	sadd.s32 s8, s6;
	s6 =	sadd.s32 $0x405200, s6;
	[sflag:s4] =	ssyncpa.u1 $0x0  }
0xe: {  	s7 =	sadd.s32 $0x2B3200, s8;
	[sflag:s31] =	ssyncpa.u1 $0x0;
	s8 =	sadd.s32 $0x1, s5  }
.LBB1_4:
0xf: {  	[tilespmem:s16+$0x30] =	vst v10;
	v8 =	vpack.i.b32.b16 v11, v8  }
0x10: {  	v51 =	vunpack.i.l.s16.s32 v4;
	v7 =	vpack.i.b32.b16 v9, v7;
	v52 =	vunpack.i.l.s16.s32 v5;
	s15 =	sand.u32 $0x1FFFFFE, s15;
	[tilespmem:s16+$0xFFFFFFC0] =	vst v8  }
0x11: {  	v53 =	vunpack.i.u.s16.s32 v4;
	v54 =	vunpack.i.u.s16.s32 v5;
	[tilespmem:s16+$0x40] =	vst v7;
	v55 =	vpack.i.b32.b16 v52, v51;
	s19 =	smulhi.u32 $0x1745D18, s15  }
0x12: {  	v56 =	vunpack.i.l.s16.s32 v2;
	v57 =	vunpack.i.l.s16.s32 v3;
	v4 =	vpack.i.b32.b16 v54, v53;
	[tilespmem:s16+$0xFFFFFFD0] =	vst v55  }
0x13: {  	v58 =	vunpack.i.l.s16.s32 v6;
	v59 =	vpack.i.b32.b16 v57, v56;
	[tilespmem:s16+$0x50] =	vst v4;
	s19 =	smul.u32 $0xB0, s19  }
0x14: {  	v60 =	vunpack.i.u.s16.s32 v6;
	s14 =	smul.u32 $0x580, s14;
	v1 =	vpack.i.b32.b16 v1, v58;
	[tilespmem:s16+$0xFFFFFFE0] =	vst v59  }
0x15: {  	v61 =	vunpack.i.u.s16.s32 v2;
	v62 =	vunpack.i.u.s16.s32 v3;
	v0 =	vpack.i.b32.b16 v0, v60;
	[tilespmem:s16+$0xFFFFFF80] =	vst v1;
	s15 =	ssub.s32 s15, s19  }
0x16: {  	v63 =	vpack.i.b32.b16 v62, v61;
	s14 =	sadd.s32 s6, s14;
	[tilespmem:s18+$0x0] =	vst v0;
	s15 =	sshll.u32 s15, $0x3  }
0x17: {  	[tilespmem:s18+$0x60] =	vst v63;
	s14 =	sadd.s32 s15, s14  }
0x18: {  	[hbm4b:s14+s9] =	stream.strided.scatter [tilespmem:s17], [sflag:$0x2], $0x4000, s10, s9, $0x38;
	[tilespmem:$0x10000] =	vst v63  }
.LBB1_5:
0x19: {  	s16 =	sadd.s32 $0x8, s12  }
0x1a: {  	p1 =	sgt.s32 s16, $0xA8  }
0x1b: {  	s16 =	smov.u32 @p1 s3;
	p1 =	sne.s32 s13, s8  }
.Ltmp1:
0x1c: {  	p0 =	slt.u32 s13, $0x2;
	(pc) =	sbr.rel @!p1 .LBB1_6-.Ltmp1, $4  }
0x1d: {  	s14 =	simm.s32 @!p0 $0x2  }
0x1e: {  	s17 =	sadd.s32 $0x1, s13;
	s15 =	smov.u32 s12;
	_ =	swait.ge @!p0 [sflag:s14], $0x4000  }
0x1f: {  	s11 =	sadd.s32 $0x8000, s11;
	s13 =	smov.u32 s17;
	[sflag:s14] =	ssyncset.done @!p0 $0x0  }
0x20: {  	s12 =	smov.u32 s16;
	[sflag:s14] =	ssyncadd.s32 @!p0 $0xFFFFC000;
	s14 =	smov.u32 s2  }
.LBB1_1:
0x21: {  	p0 =	sge.u32 s13, s5  }
0x22: {  	p1 =	sgt.s32 @!p0 s12, $0xA7  }
0x23: {  	s16 =	smov.u32 s12;
	s17 =	sshra.s32 @!p0 s12, $0x1F;
	p1 =	por !p1, p0  }
0x24: {  	s17 =	sand.u32 @!p0 s17, s12;
	s16 =	simm.s32 @p1 $0xA7  }
0x25: {  	s16 =	ssub.s32 @!p0 s16, s17  }
0x26: {  	s31 =	sadd.s32 $0xFFFFFFFF, s13;
	s18 =	sxor.u32 @!p0 $0xFFFFFFFF, s13;
	s16 =	sadd.s32 @!p0 $0xFFFFFF59, s16  }
0x27: {  	s19 =	simm.s32 @!p0 $0x2000;
	s20 =	simm.s32 @!p0 $0x10000;
	s17 =	sshll.u32 @!p0 s16, $0xD  }
0x28: {  	s18 =	sshll.u32 @!p0 s18, $0xE;
	p1 =	sgt.s32 @!p0 s16, $0x1;
	s16 =	ssub.s32 @!p0 $0x4000, s17  }
0x29: {  	p1 =	por !p1, p0;
	s17 =	sshll.u32 @!p0 s12, $0xD;
	s16 =	sand.u32 @!p0 $0x3FFFE000, s16  }
0x2a: {  	s18 =	sand.u32 @!p0 $0x4000, s18;
	s17 =	sadd.s32 @!p0 s17, s7;
	s16 =	simm.s32 @!p1 $0x0  }
0x2b: {  	[tilespmem:s18], [sflag:$0x1] =	stream.strided.gather @!p0 [hbm4b:s17+s19], s16, s20, s19, $0x38;
	[tilespmem:$0x10000] =	vst v63  }
0x2c: {  	p0 =	sge.u32 s31, s5  }
.Ltmp2:
0x2d: {  	_ = 	snop;
	(pc) =	sbr.rel @p0 .LBB1_5-.Ltmp2, $1  }
0x2e: {  	_ =	sdelay $0x3  }
0x2f: {  	p0 =	sgt.s32 s15, $0xA7;
	s16 =	smov.u32 s15;
	s17 =	sshra.s32 s15, $0x1F  }
0x30: {  	s16 =	simm.s32 @!p0 $0xA7;
	s17 =	sand.u32 s17, s15  }
0x31: {  	s16 =	ssub.s32 s16, s17  }
0x32: {  	s16 =	sadd.s32 $0xFFFFFF59, s16  }
0x33: {  	s29 =	sshll.u32 s16, $0xD  }
0x34: {  	s17 =	ssub.s32 $0x4000, s29  }
0x35: {  	p0 =	sgt.s32 s16, $0x1;
	s16 =	sand.u32 $0x3FFFE000, s17  }
0x36: {  	s16 =	simm.s32 @p0 $0x0  }
0x37: {  	s30 =	sshrl.u32 s11, $0x1;
	_ =	swait.ge [sflag:s4], s16  }
0x38: {  	s17 =	sand.u32 $0x4000, s30;
	s16 =	ssub.s32 $0x0, s16;
	[sflag:s4] =	ssyncset.done $0x0  }
0x39: {  	s18 =	sor.u32 $0x2000, s17;
	[sflag:s4] =	ssyncadd.s32 s16  }
0x3a: {  	v0 =	vld [tilespmem:s18+$0xFFFFE070]  }
0x3b: {  	v1 =	vld [tilespmem:s18+$0x70]  }
0x3c: {  	v2 =	vld [tilespmem:s18+$0x0]  }
0x3d: {  	v3 =	vld [tilespmem:s18+$0xFFFFE010]  }
0x3e: {  	v4 =	vld [tilespmem:s18+$0x10]  }
0x3f: {  	v5 =	vld [tilespmem:s18+$0xFFFFE020]  }
0x40: {  	v7 =	vld [tilespmem:s18+$0x20]  }
0x41: {  	v12 =	vld [tilespmem:s18+$0xFFFFE040];
	v6 =	vunpack.i.l.s16.s32 v0;
	v8 =	vunpack.i.u.s16.s32 v0;
	v9 =	vunpack.i.u.s16.s32 v1  }
0x42: {  	v10 =	vunpack.i.l.s16.s32 v1;
	v0 =	vunpack.i.u.s16.s32 v2;
	v1 =	vunpack.i.l.s16.s32 v2;
	v2 =	vld [tilespmem:s18+$0xFFFFE030]  }
0x43: {  	s16 =	sor.u32 $0x8080, s17;
	v11 =	vld [tilespmem:s18+$0x30];
	v8 =	vpack.i.b32.b16 v9, v8;
	v9 =	vunpack.i.u.s16.s32 v3;
	v3 =	vunpack.i.l.s16.s32 v3  }
0x44: {  	v6 =	vpack.i.b32.b16 v10, v6;
	[tilespmem:s16+$0x70] =	vst v8;
	v8 =	vunpack.i.u.s16.s32 v4;
	v4 =	vunpack.i.l.s16.s32 v4  }
0x45: {  	v13 =	vld [tilespmem:s18+$0x40];
	v10 =	vunpack.i.u.s16.s32 v5;
	v5 =	vunpack.i.l.s16.s32 v5;
	[tilespmem:s16+$0xFFFFFFF0] =	vst v6;
	v3 =	vpack.i.b32.b16 v4, v3  }
0x46: {  	v6 =	vunpack.i.u.s16.s32 v7;
	v7 =	vunpack.i.l.s16.s32 v7;
	v4 =	vld [tilespmem:s18+$0xFFFFE050];
	[tilespmem:s16+$0xFFFFFF90] =	vst v3;
	v3 =	vpack.i.b32.b16 v8, v9  }
0x47: {  	v8 =	vunpack.i.l.s16.s32 v12;
	[tilespmem:s16+$0x10] =	vst v3;
	v3 =	vpack.i.b32.b16 v7, v5;
	v9 =	vunpack.i.u.s16.s32 v2;
	v5 =	vld [tilespmem:s18+$0x50]  }
0x48: {  	s31 =	sshll.u32 s13, $0xE;
	v7 =	vunpack.i.l.s16.s32 v2;
	v2 =	vld [tilespmem:s18+$0xFFFFE060];
	[tilespmem:s16+$0xFFFFFFA0] =	vst v3;
	v3 =	vpack.i.b32.b16 v6, v10;
	v6 =	vunpack.i.l.s16.s32 v11  }
0x49: {  	s19 =	simm.s32 $0x0;
	s17 =	sand.u32 $0x4000, s31;
	v10 =	vunpack.i.u.s16.s32 v11;
	[tilespmem:s16+$0x20] =	vst v3;
	v11 =	vpack.i.b32.b16 v6, v7;
	v7 =	vunpack.i.u.s16.s32 v12;
	v3 =	vld [tilespmem:s18+$0x60]  }
0x4a: {  	s20 =	sadd.s32 $0x80, s18;
	s17 =	sor.u32 $0x8000, s17;
	v6 =	vld [tilespmem:s18+$0xFFFFE000];
	v10 =	vpack.i.b32.b16 v10, v9;
	v9 =	vunpack.i.u.s16.s32 v13;
	s18 =	smov.u32 s16;
	[tilespmem:s16+$0xFFFFFFB0] =	vst v11;
	v11 =	vunpack.i.l.s16.s32 v13  }
.LBB1_3:
0x4b: {  	v12 =	vld [tilespmem:s20+$0xFFFFE070];
	[tilespmem:s16+$0x30] =	vst v10;
	v8 =	vpack.i.b32.b16 v11, v8;
	v10 =	vunpack.i.u.s16.s32 v4;
	v4 =	vunpack.i.l.s16.s32 v4  }
0x4c: {  	s19 =	sadd.s32 $0x2, s19;
	v7 =	vpack.i.b32.b16 v9, v7;
	v11 =	vld [tilespmem:s20+$0x70];
	[tilespmem:s16+$0xFFFFFFC0] =	vst v8;
	v8 =	vunpack.i.u.s16.s32 v5;
	v5 =	vunpack.i.l.s16.s32 v5  }
0x4d: {  	p0 =	slt.u32 s19, $0x7E;
	v9 =	vld [tilespmem:s20+$0x0];
	[tilespmem:s16+$0x40] =	vst v7;
	v4 =	vpack.i.b32.b16 v5, v4;
	v5 =	vunpack.i.u.s16.s32 v2;
	v2 =	vunpack.i.l.s16.s32 v2  }
0x4e: {  	v7 =	vld [tilespmem:s20+$0xFFFFE010];
	[tilespmem:s16+$0xFFFFFFD0] =	vst v4;
	v4 =	vpack.i.b32.b16 v8, v10;
	v8 =	vunpack.i.u.s16.s32 v3;
	v3 =	vunpack.i.l.s16.s32 v3  }
0x4f: {  	v13 =	vunpack.i.u.s16.s32 v6;
	v6 =	vunpack.i.l.s16.s32 v6;
	v10 =	vld [tilespmem:s20+$0x10];
	[tilespmem:s16+$0x50] =	vst v4;
	v2 =	vpack.i.b32.b16 v3, v2  }
0x50: {  	v1 =	vpack.i.b32.b16 v1, v6;
	v6 =	vpack.i.b32.b16 v0, v13;
	v3 =	vld [tilespmem:s20+$0xFFFFE020];
	v4 =	vunpack.i.l.s16.s32 v12;
	[tilespmem:s16+$0xFFFFFFE0] =	vst v2  }
0x51: {  	v12 =	vunpack.i.u.s16.s32 v12;
	v2 =	vld [tilespmem:s20+$0x20];
	v13 =	vunpack.i.u.s16.s32 v11;
	v11 =	vunpack.i.l.s16.s32 v11;
	[tilespmem:s16+$0xFFFFFF80] =	vst v1  }
0x52: {  	s16 =	sadd.s32 $0x100, s16;
	v0 =	vunpack.i.u.s16.s32 v9;
	v1 =	vunpack.i.l.s16.s32 v9;
	v9 =	vld [tilespmem:s20+$0xFFFFE030];
	v12 =	vpack.i.b32.b16 v13, v12;
	[tilespmem:s18+$0x0] =	vst v6  }
0x53: {  	v5 =	vpack.i.b32.b16 v8, v5;
	v6 =	vunpack.i.u.s16.s32 v7;
	v7 =	vunpack.i.l.s16.s32 v7;
	v13 =	vld [tilespmem:s20+$0x30];
	[tilespmem:s16+$0x70] =	vst v12  }
0x54: {  	v4 =	vpack.i.b32.b16 v11, v4;
	v8 =	vunpack.i.u.s16.s32 v10;
	v10 =	vunpack.i.l.s16.s32 v10;
	v12 =	vld [tilespmem:s20+$0xFFFFE040];
	[tilespmem:s18+$0x60] =	vst v5;
	s18 =	smov.u32 s16  }
0x55: {  	v5 =	vpack.i.b32.b16 v10, v7;
	v7 =	vunpack.i.u.s16.s32 v3;
	v3 =	vunpack.i.l.s16.s32 v3;
	v11 =	vld [tilespmem:s20+$0x40];
	[tilespmem:s16+$0xFFFFFFF0] =	vst v4  }
.Ltmp3:
0x56: {  	[tilespmem:s16+$0xFFFFFF90] =	vst v5;
	v5 =	vpack.i.b32.b16 v8, v6;
	v6 =	vunpack.i.u.s16.s32 v2;
	v2 =	vunpack.i.l.s16.s32 v2;
	v4 =	vld [tilespmem:s20+$0xFFFFE050];
	(pc) =	sbr.rel @p0 .LBB1_3-.Ltmp3, $4  }
0x57: {  	[tilespmem:s16+$0x10] =	vst v5;
	v2 =	vpack.i.b32.b16 v2, v3;
	v10 =	vunpack.i.u.s16.s32 v9;
	v3 =	vunpack.i.l.s16.s32 v9;
	v5 =	vld [tilespmem:s20+$0x50]  }
0x58: {  	v6 =	vpack.i.b32.b16 v6, v7;
	[tilespmem:s16+$0xFFFFFFA0] =	vst v2;
	v9 =	vunpack.i.u.s16.s32 v13;
	v7 =	vunpack.i.l.s16.s32 v13;
	v2 =	vld [tilespmem:s20+$0xFFFFE060]  }
0x59: {  	[tilespmem:s16+$0x20] =	vst v6;
	v13 =	vpack.i.b32.b16 v7, v3;
	v7 =	vunpack.i.u.s16.s32 v12;
	v8 =	vunpack.i.l.s16.s32 v12;
	v3 =	vld [tilespmem:s20+$0x60]  }
0x5a: {  	v10 =	vpack.i.b32.b16 v9, v10;
	v6 =	vld [tilespmem:s20+$0xFFFFE000];
	[tilespmem:s16+$0xFFFFFFB0] =	vst v13;
	v9 =	vunpack.i.u.s16.s32 v11;
	v11 =	vunpack.i.l.s16.s32 v11;
	s20 =	sadd.s32 $0x80, s20  }
.Ltmp4:
0x5b: {  	_ = 	snop;
	(pc) =	sbr.rel .LBB1_4-.Ltmp4, $1  }
0x5c: {  	_ =	sdelay $0x3  }
.LBB1_6:
0x5d: {  	_ =	sfence.sel $0x180000  }
0x5e: {  	s2 =	simm.s32 $0x1;
	[bflag:$0x0] =	sbarrier.arrive $0xFFFF  }
0x5f: {  	s31 =	simm.s32 $0x2;
	[sflag:s2] =	ssyncpa.u1 $0x1  }
0x60: {  	[sflag:s31] =	ssyncpa.u1 $0x1  }
0x61: {  	p0 =	sne.s32 s0, $0x0;
	_ =	strace $0x9000004A  }
0x62: {  	s0 =	sadd.s32 @!p0 $0x100000, s1;
	[bflag:$0x2] =	sbarrier.arrive $0xFFFF  }
0x63: {  	[sflag:s0] =	ssyncadd.tile.s32 @!p0 $0x1;
	_ =	shalt  }
.Lfunc_end1:
_tile_overlayer_lowered:
.L_overlay_start_2:
0x64: {  	(tag) =	ssettag $0x2  }
0x65: {  	s0 =	rddreg [dreg:$0x0];
	s2 =	stileid.u32  }
0x66: {  	s1 =	rddreg [dreg:$0x1];
	p0 =	sne.s32 s2, $0x0  }
0x67: {  	s3 =	rddreg [dreg:$0x2];
	[bflag:$0x3] =	sbarrier.arrive $0xFFFF;
	s2 =	simm.s32 @!p0 $0x1C01  }
0x68: {  	[timem:s3], [sflag:s2] =	dma.local @!p0 [hbm:s0], s1  }
0x69: {  	s0 =	simm.s32 @!p0 $0x1  }
0x6a: {  	_ =	swait.ge @!p0 [sflag:s0], s1  }
0x6b: {  	s1 =	ssub.s32 @!p0 $0x0, s1;
	[sflag:s0] =	ssyncset.done @!p0 $0x0  }
0x6c: {  	[sflag:s0] =	ssyncadd.s32 @!p0 s1  }
0x6d: {  	[bflag:$0x3] =	sbarrier.arrive $0xFFFF  }
0x6e: {  	_ =	shalt  }

// kernel: sparse-core-data-format-call.cloned.1.call-start
scs
called_computation_lowered:
.L_overlay_start_0:
0x0: {  	s1 =	sld [smem:$0x3FD9]  }
0x1: {  	s2 =	sld [smem:$0x3FFE];
	_ =	sdelay $0x1  }
0x2: {  	s3 =	srdreg.scid  }
0x3: {  	s0 =	sand.u32 $0x1, s3  }
0x4: {  	s17 =	sshll.u32 s0, $0xA;
	s1 =	sadd.s32 s2, s1  }
0x5: {  	s1 =	sadd.s32 s1, s17  }
0x6: {  	[smem:$0x3FC6] =	sst s1  }
0x7: {  	_ = 	snop  }
0x8: {  	(tm) =	ssettm $0x1  }
0x9: {  	s18 =	sld [smem:$0x3FFB];
	_ =	sdelay $0x3  }
0xa: {  	_ =	strace s18  }
0xb: {  	s1 =	sld [smem:$0x3FFC];
	_ =	sdelay $0x3  }
0xc: {  	_ =	strace s1  }
0xd: {  	s1 =	sld [smem:$0x3FFD];
	_ =	sdelay $0x3  }
0xe: {  	_ =	strace s1  }
0xf: {  	_ =	strace $0x8FFFFFFF  }
0x10: {  	s19 =	sld [smem:$0x3FDB];
	_ =	sdelay $0x1  }
0x11: {  	s20 =	simm.s32 $_scs_section_size  }
0x12: {  	s4 =	simm.s32 $_size__tile_overlayer_lowered;
	s5 =	simm.s32 $_tile_overlayer_lowered  }
0x13: {  	s23 =	simm.s32 $0x1BFF;
	s22 =	sshll.u32 s5, $0x1;
	s1 =	sadd.s32 s20, s19  }
0x14: {  	s6 =	simm.s32 $0x0;
	s21 =	sshll.u32 s4, $0x1;
	s4 =	sadd.s32 s22, s1  }
0x15: {  	[timem:s6], [sflag:s23] =	dma.local [hbm:s4], s21  }
0x16: {  	_ =	swait.ge [sflag:s23], s21  }
0x17: {  	s2 =	ssub.s32 $0x0, s21;
	[sflag:s23] =	ssyncset.done $0x0  }
0x18: {  	[sflag:s23] =	ssyncadd.s32 s2;
	_ =	sdelay $0x1  }
0x19: {  	s24 =	simm.s32 $0x1B8B  }
0x1a: {  	_ =	swait.ge [sflag:s24], $0x1  }
0x1b: {  	[sflag:s24] =	ssyncset.done $0x0  }
0x1c: {  	s26 =	simm.s32 $0x1B8E;
	s25 =	sld [smem:$0x3FFE];
	[sflag:s24] =	ssyncadd.s32 $0xFFFFFFFF  }
0x1d: {  	s27 =	simm.s32 $execute0_lowered;
	[smem:$0x3FD2] =	sst s26  }
0x1e: {  	s4 =	sshll.u32 s27, $0x1;
	_ =	strace $0x80000046;
	[dreg:$0x1] =	wrdreg $0xFFFFFFFF  }
0x1f: {  	s28 =	simm.s32 $_size_execute0_lowered;
	s1 =	sadd.s32 s1, s4;
	[dreg:$0x0] =	wrdreg $0x0  }
0x20: {  	s4 =	sshll.u32 s28, $0x1;
	[dreg:$0x2] =	wrdreg s1  }
0x21: {  	[dreg:$0x3] =	wrdreg s4  }
0x22: {  	[dreg:$0x4] =	wrdreg $0xC0  }
0x23: {  	_ =	task [dreg:s6], $0x5FFFF  }
0x24: {  	[dreg:$0x1] =	wrdreg $0xFFFFFFFF  }
0x25: {  	[dreg:$0x0] =	wrdreg $0x60  }
0x26: {  	[dreg:$0x2] =	wrdreg s25  }
0x27: {  	[dreg:$0x3] =	wrdreg $0x9  }
0x28: {  	_ =	task.clear_ibuf [dreg:s6], $0x4FFFF;
	_ =	strace $0x90000046  }
0x29: {  	s29 =	simm.s32 $0x9;
	_ =	strace $0x80000048  }
0x2a: {  	_ =	swait.ge [sflag:s29], $0x1  }
0x2b: {  	[sflag:s29] =	ssyncadd.s32 $0xFFFFFFFF  }
0x2c: {  	_ =	strace $0x90000048  }
0x2d: {  	_ =	sfence  }
0x2e: {  	s30 =	sld [smem:$0x0];
	_ =	sdelay $0x2  }
0x2f: {  	s31 =	sshll.u32 s3, $0xD;
	s3 =	sshrl.u32 s3, $0x2  }
0x30: {  	s2 =	sand.u32 $0x4000, s31;
	s1 =	sadd.s32 s3, s30  }
0x31: {  	s0 =	sor.u32 s2, s0;
	s1 =	sshll.u32 s1, $0x11  }
0x32: {  	s0 =	sor.u32 s1, s0  }
0x33: {  	s0 =	sadd.s32 $0x8F2B, s0  }
0x34: {  	[sflag:s0] =	ssyncadd.remote.s32 $0x1  }
0x35: {  	_ =	sfence.sel $0xFFFF  }
0x36: {  	[dreg:$0x0] =	wrdreg $0xFFFFFFFF;
	(pc) =	sbr.abs _section_cstart, $3  }
0x37: {  	[dreg:$0x1] =	wrdreg $0xFFFFFFFF  }
0x38: {  	_ =	task.clear_ibuf [dreg:s6], $0x2FFFF;
	_ =	strace $0x9FFFFFFF  }
0x39: {  	(tm) =	ssettm $0x7FFFFFFF  }
tec
execute0_lowered:
.L_overlay_start_1:
0x0: {  	(tag) =	ssettag $0x1  }
0x1: {  	s0 =	stileid.u32  }
0x2: {  	s1 =	srdreg.scid;
	s6 =	rddreg [dreg:$0x0]  }
0x3: {  	s31 =	simm.s32 $0x2;
	s14 =	simm.s32 $0x0;
	s9 =	simm.s32 $0x80  }
0x4: {  	s10 =	simm.s32 $0x2C00;
	s2 =	sshll.u32 s0, $0x5;
	s1 =	sshll.u32 s1, $0x9  }
0x5: {  	s11 =	simm.s32 $0x0;
	s15 =	simm.s32 $0x0;
	s1 =	sor.u32 s2, s1  }
0x6: {  	s13 =	simm.s32 $0x0;
	s3 =	sshll.u32 s0, $0x1;
	s2 =	sand.u32 $0x380, s1  }
0x7: {  	s3 =	sand.u32 $0x6, s3;
	s1 =	rddreg [dreg:$0x1];
	s4 =	ssub.s32 $0x400, s2  }
0x8: {  	_ =	strace $0x80000047;
	s7 =	ssub.s32 $0xA8, s3;
	s5 =	sand.u32 $0x380, s4  }
0x9: {  	s7 =	sshrl.u32 s7, $0x3;
	p0 =	sne.s32 s5, $0x0;
	s5 =	simm.s32 $0x1  }
.Ltmp0:
0xa: {  	s4 =	sshrl.u32 s4, $0xA;
	s5 =	simm.s32 @!p0 $0x0;
	(pc) =	sbr.rel .LBB1_1-.Ltmp0, $4  }
0xb: {  	s12 =	smov.u32 s3;
	s7 =	sadd.s32 $0x1, s7;
	s5 =	sadd.s32 s5, s4  }
0xc: {  	s8 =	sshll.u32 s2, $0x3;
	s4 =	simm.s32 $0x1;
	s5 =	smul.u32 s7, s5  }
0xd: {  	s8 =	sadd.s32 s8, s6;
	s6 =	sadd.s32 $0x153200, s6;
	[sflag:s4] =	ssyncpa.u1 $0x0  }
0xe: {  	s7 =	sadd.s32 $0x1200, s8;
	[sflag:s31] =	ssyncpa.u1 $0x0;
	s8 =	sadd.s32 $0x1, s5  }
.LBB1_4:
0xf: {  	[tilespmem:s16+$0x30] =	vst v10;
	v8 =	vpack.i.b32.b16 v11, v8  }
0x10: {  	v51 =	vunpack.i.l.s16.s32 v4;
	v7 =	vpack.i.b32.b16 v9, v7;
	v52 =	vunpack.i.l.s16.s32 v5;
	s15 =	sand.u32 $0x1FFFFFE, s15;
	[tilespmem:s16+$0xFFFFFFC0] =	vst v8  }
0x11: {  	v53 =	vunpack.i.u.s16.s32 v4;
	v54 =	vunpack.i.u.s16.s32 v5;
	[tilespmem:s16+$0x40] =	vst v7;
	v55 =	vpack.i.b32.b16 v52, v51;
	s19 =	smulhi.u32 $0x1745D18, s15  }
0x12: {  	v56 =	vunpack.i.l.s16.s32 v2;
	v57 =	vunpack.i.l.s16.s32 v3;
	v4 =	vpack.i.b32.b16 v54, v53;
	[tilespmem:s16+$0xFFFFFFD0] =	vst v55  }
0x13: {  	v58 =	vunpack.i.l.s16.s32 v6;
	v59 =	vpack.i.b32.b16 v57, v56;
	[tilespmem:s16+$0x50] =	vst v4;
	s19 =	smul.u32 $0xB0, s19  }
0x14: {  	v60 =	vunpack.i.u.s16.s32 v6;
	s14 =	smul.u32 $0x580, s14;
	v1 =	vpack.i.b32.b16 v1, v58;
	[tilespmem:s16+$0xFFFFFFE0] =	vst v59  }
0x15: {  	v61 =	vunpack.i.u.s16.s32 v2;
	v62 =	vunpack.i.u.s16.s32 v3;
	v0 =	vpack.i.b32.b16 v0, v60;
	[tilespmem:s16+$0xFFFFFF80] =	vst v1;
	s15 =	ssub.s32 s15, s19  }
0x16: {  	v63 =	vpack.i.b32.b16 v62, v61;
	s14 =	sadd.s32 s6, s14;
	[tilespmem:s18+$0x0] =	vst v0;
	s15 =	sshll.u32 s15, $0x3  }
0x17: {  	[tilespmem:s18+$0x60] =	vst v63;
	s14 =	sadd.s32 s15, s14  }
0x18: {  	[hbm4b:s14+s9] =	stream.strided.scatter [tilespmem:s17], [sflag:$0x2], $0x4000, s10, s9, $0x38;
	[tilespmem:$0x10000] =	vst v63  }
.LBB1_5:
0x19: {  	s16 =	sadd.s32 $0x8, s12  }
0x1a: {  	p1 =	sgt.s32 s16, $0xA8  }
0x1b: {  	s16 =	smov.u32 @p1 s3;
	p1 =	sne.s32 s13, s8  }
.Ltmp1:
0x1c: {  	p0 =	slt.u32 s13, $0x2;
	(pc) =	sbr.rel @!p1 .LBB1_6-.Ltmp1, $4  }
0x1d: {  	s14 =	simm.s32 @!p0 $0x2  }
0x1e: {  	s17 =	sadd.s32 $0x1, s13;
	s15 =	smov.u32 s12;
	_ =	swait.ge @!p0 [sflag:s14], $0x4000  }
0x1f: {  	s11 =	sadd.s32 $0x8000, s11;
	s13 =	smov.u32 s17;
	[sflag:s14] =	ssyncset.done @!p0 $0x0  }
0x20: {  	s12 =	smov.u32 s16;
	[sflag:s14] =	ssyncadd.s32 @!p0 $0xFFFFC000;
	s14 =	smov.u32 s2  }
.LBB1_1:
0x21: {  	p0 =	sge.u32 s13, s5  }
0x22: {  	p1 =	sgt.s32 @!p0 s12, $0xA7  }
0x23: {  	s16 =	smov.u32 s12;
	s17 =	sshra.s32 @!p0 s12, $0x1F;
	p1 =	por !p1, p0  }
0x24: {  	s17 =	sand.u32 @!p0 s17, s12;
	s16 =	simm.s32 @p1 $0xA7  }
0x25: {  	s16 =	ssub.s32 @!p0 s16, s17  }
0x26: {  	s31 =	sadd.s32 $0xFFFFFFFF, s13;
	s18 =	sxor.u32 @!p0 $0xFFFFFFFF, s13;
	s16 =	sadd.s32 @!p0 $0xFFFFFF59, s16  }
0x27: {  	s19 =	simm.s32 @!p0 $0x2000;
	s20 =	simm.s32 @!p0 $0x10000;
	s17 =	sshll.u32 @!p0 s16, $0xD  }
0x28: {  	s18 =	sshll.u32 @!p0 s18, $0xE;
	p1 =	sgt.s32 @!p0 s16, $0x1;
	s16 =	ssub.s32 @!p0 $0x4000, s17  }
0x29: {  	p1 =	por !p1, p0;
	s17 =	sshll.u32 @!p0 s12, $0xD;
	s16 =	sand.u32 @!p0 $0x3FFFE000, s16  }
0x2a: {  	s18 =	sand.u32 @!p0 $0x4000, s18;
	s17 =	sadd.s32 @!p0 s17, s7;
	s16 =	simm.s32 @!p1 $0x0  }
0x2b: {  	[tilespmem:s18], [sflag:$0x1] =	stream.strided.gather @!p0 [hbm4b:s17+s19], s16, s20, s19, $0x38;
	[tilespmem:$0x10000] =	vst v63  }
0x2c: {  	p0 =	sge.u32 s31, s5  }
.Ltmp2:
0x2d: {  	_ = 	snop;
	(pc) =	sbr.rel @p0 .LBB1_5-.Ltmp2, $1  }
0x2e: {  	_ =	sdelay $0x3  }
0x2f: {  	p0 =	sgt.s32 s15, $0xA7;
	s16 =	smov.u32 s15;
	s17 =	sshra.s32 s15, $0x1F  }
0x30: {  	s16 =	simm.s32 @!p0 $0xA7;
	s17 =	sand.u32 s17, s15  }
0x31: {  	s16 =	ssub.s32 s16, s17  }
0x32: {  	s16 =	sadd.s32 $0xFFFFFF59, s16  }
0x33: {  	s29 =	sshll.u32 s16, $0xD  }
0x34: {  	s17 =	ssub.s32 $0x4000, s29  }
0x35: {  	p0 =	sgt.s32 s16, $0x1;
	s16 =	sand.u32 $0x3FFFE000, s17  }
0x36: {  	s16 =	simm.s32 @p0 $0x0  }
0x37: {  	s30 =	sshrl.u32 s11, $0x1;
	_ =	swait.ge [sflag:s4], s16  }
0x38: {  	s17 =	sand.u32 $0x4000, s30;
	s16 =	ssub.s32 $0x0, s16;
	[sflag:s4] =	ssyncset.done $0x0  }
0x39: {  	s18 =	sor.u32 $0x2000, s17;
	[sflag:s4] =	ssyncadd.s32 s16  }
0x3a: {  	v0 =	vld [tilespmem:s18+$0xFFFFE070]  }
0x3b: {  	v1 =	vld [tilespmem:s18+$0x70]  }
0x3c: {  	v2 =	vld [tilespmem:s18+$0x0]  }
0x3d: {  	v3 =	vld [tilespmem:s18+$0xFFFFE010]  }
0x3e: {  	v4 =	vld [tilespmem:s18+$0x10]  }
0x3f: {  	v5 =	vld [tilespmem:s18+$0xFFFFE020]  }
0x40: {  	v7 =	vld [tilespmem:s18+$0x20]  }
0x41: {  	v12 =	vld [tilespmem:s18+$0xFFFFE040];
	v6 =	vunpack.i.l.s16.s32 v0;
	v8 =	vunpack.i.u.s16.s32 v0;
	v9 =	vunpack.i.u.s16.s32 v1  }
0x42: {  	v10 =	vunpack.i.l.s16.s32 v1;
	v0 =	vunpack.i.u.s16.s32 v2;
	v1 =	vunpack.i.l.s16.s32 v2;
	v2 =	vld [tilespmem:s18+$0xFFFFE030]  }
0x43: {  	s16 =	sor.u32 $0x8080, s17;
	v11 =	vld [tilespmem:s18+$0x30];
	v8 =	vpack.i.b32.b16 v9, v8;
	v9 =	vunpack.i.u.s16.s32 v3;
	v3 =	vunpack.i.l.s16.s32 v3  }
0x44: {  	v6 =	vpack.i.b32.b16 v10, v6;
	[tilespmem:s16+$0x70] =	vst v8;
	v8 =	vunpack.i.u.s16.s32 v4;
	v4 =	vunpack.i.l.s16.s32 v4  }
0x45: {  	v13 =	vld [tilespmem:s18+$0x40];
	v10 =	vunpack.i.u.s16.s32 v5;
	v5 =	vunpack.i.l.s16.s32 v5;
	[tilespmem:s16+$0xFFFFFFF0] =	vst v6;
	v3 =	vpack.i.b32.b16 v4, v3  }
0x46: {  	v6 =	vunpack.i.u.s16.s32 v7;
	v7 =	vunpack.i.l.s16.s32 v7;
	v4 =	vld [tilespmem:s18+$0xFFFFE050];
	[tilespmem:s16+$0xFFFFFF90] =	vst v3;
	v3 =	vpack.i.b32.b16 v8, v9  }
0x47: {  	v8 =	vunpack.i.l.s16.s32 v12;
	[tilespmem:s16+$0x10] =	vst v3;
	v3 =	vpack.i.b32.b16 v7, v5;
	v9 =	vunpack.i.u.s16.s32 v2;
	v5 =	vld [tilespmem:s18+$0x50]  }
0x48: {  	s31 =	sshll.u32 s13, $0xE;
	v7 =	vunpack.i.l.s16.s32 v2;
	v2 =	vld [tilespmem:s18+$0xFFFFE060];
	[tilespmem:s16+$0xFFFFFFA0] =	vst v3;
	v3 =	vpack.i.b32.b16 v6, v10;
	v6 =	vunpack.i.l.s16.s32 v11  }
0x49: {  	s19 =	simm.s32 $0x0;
	s17 =	sand.u32 $0x4000, s31;
	v10 =	vunpack.i.u.s16.s32 v11;
	[tilespmem:s16+$0x20] =	vst v3;
	v11 =	vpack.i.b32.b16 v6, v7;
	v7 =	vunpack.i.u.s16.s32 v12;
	v3 =	vld [tilespmem:s18+$0x60]  }
0x4a: {  	s20 =	sadd.s32 $0x80, s18;
	s17 =	sor.u32 $0x8000, s17;
	v6 =	vld [tilespmem:s18+$0xFFFFE000];
	v10 =	vpack.i.b32.b16 v10, v9;
	v9 =	vunpack.i.u.s16.s32 v13;
	s18 =	smov.u32 s16;
	[tilespmem:s16+$0xFFFFFFB0] =	vst v11;
	v11 =	vunpack.i.l.s16.s32 v13  }
.LBB1_3:
0x4b: {  	v12 =	vld [tilespmem:s20+$0xFFFFE070];
	[tilespmem:s16+$0x30] =	vst v10;
	v8 =	vpack.i.b32.b16 v11, v8;
	v10 =	vunpack.i.u.s16.s32 v4;
	v4 =	vunpack.i.l.s16.s32 v4  }
0x4c: {  	s19 =	sadd.s32 $0x2, s19;
	v7 =	vpack.i.b32.b16 v9, v7;
	v11 =	vld [tilespmem:s20+$0x70];
	[tilespmem:s16+$0xFFFFFFC0] =	vst v8;
	v8 =	vunpack.i.u.s16.s32 v5;
	v5 =	vunpack.i.l.s16.s32 v5  }
0x4d: {  	p0 =	slt.u32 s19, $0x7E;
	v9 =	vld [tilespmem:s20+$0x0];
	[tilespmem:s16+$0x40] =	vst v7;
	v4 =	vpack.i.b32.b16 v5, v4;
	v5 =	vunpack.i.u.s16.s32 v2;
	v2 =	vunpack.i.l.s16.s32 v2  }
0x4e: {  	v7 =	vld [tilespmem:s20+$0xFFFFE010];
	[tilespmem:s16+$0xFFFFFFD0] =	vst v4;
	v4 =	vpack.i.b32.b16 v8, v10;
	v8 =	vunpack.i.u.s16.s32 v3;
	v3 =	vunpack.i.l.s16.s32 v3  }
0x4f: {  	v13 =	vunpack.i.u.s16.s32 v6;
	v6 =	vunpack.i.l.s16.s32 v6;
	v10 =	vld [tilespmem:s20+$0x10];
	[tilespmem:s16+$0x50] =	vst v4;
	v2 =	vpack.i.b32.b16 v3, v2  }
0x50: {  	v1 =	vpack.i.b32.b16 v1, v6;
	v6 =	vpack.i.b32.b16 v0, v13;
	v3 =	vld [tilespmem:s20+$0xFFFFE020];
	v4 =	vunpack.i.l.s16.s32 v12;
	[tilespmem:s16+$0xFFFFFFE0] =	vst v2  }
0x51: {  	v12 =	vunpack.i.u.s16.s32 v12;
	v2 =	vld [tilespmem:s20+$0x20];
	v13 =	vunpack.i.u.s16.s32 v11;
	v11 =	vunpack.i.l.s16.s32 v11;
	[tilespmem:s16+$0xFFFFFF80] =	vst v1  }
0x52: {  	s16 =	sadd.s32 $0x100, s16;
	v0 =	vunpack.i.u.s16.s32 v9;
	v1 =	vunpack.i.l.s16.s32 v9;
	v9 =	vld [tilespmem:s20+$0xFFFFE030];
	v12 =	vpack.i.b32.b16 v13, v12;
	[tilespmem:s18+$0x0] =	vst v6  }
0x53: {  	v5 =	vpack.i.b32.b16 v8, v5;
	v6 =	vunpack.i.u.s16.s32 v7;
	v7 =	vunpack.i.l.s16.s32 v7;
	v13 =	vld [tilespmem:s20+$0x30];
	[tilespmem:s16+$0x70] =	vst v12  }
0x54: {  	v4 =	vpack.i.b32.b16 v11, v4;
	v8 =	vunpack.i.u.s16.s32 v10;
	v10 =	vunpack.i.l.s16.s32 v10;
	v12 =	vld [tilespmem:s20+$0xFFFFE040];
	[tilespmem:s18+$0x60] =	vst v5;
	s18 =	smov.u32 s16  }
0x55: {  	v5 =	vpack.i.b32.b16 v10, v7;
	v7 =	vunpack.i.u.s16.s32 v3;
	v3 =	vunpack.i.l.s16.s32 v3;
	v11 =	vld [tilespmem:s20+$0x40];
	[tilespmem:s16+$0xFFFFFFF0] =	vst v4  }
.Ltmp3:
0x56: {  	[tilespmem:s16+$0xFFFFFF90] =	vst v5;
	v5 =	vpack.i.b32.b16 v8, v6;
	v6 =	vunpack.i.u.s16.s32 v2;
	v2 =	vunpack.i.l.s16.s32 v2;
	v4 =	vld [tilespmem:s20+$0xFFFFE050];
	(pc) =	sbr.rel @p0 .LBB1_3-.Ltmp3, $4  }
0x57: {  	[tilespmem:s16+$0x10] =	vst v5;
	v2 =	vpack.i.b32.b16 v2, v3;
	v10 =	vunpack.i.u.s16.s32 v9;
	v3 =	vunpack.i.l.s16.s32 v9;
	v5 =	vld [tilespmem:s20+$0x50]  }
0x58: {  	v6 =	vpack.i.b32.b16 v6, v7;
	[tilespmem:s16+$0xFFFFFFA0] =	vst v2;
	v9 =	vunpack.i.u.s16.s32 v13;
	v7 =	vunpack.i.l.s16.s32 v13;
	v2 =	vld [tilespmem:s20+$0xFFFFE060]  }
0x59: {  	[tilespmem:s16+$0x20] =	vst v6;
	v13 =	vpack.i.b32.b16 v7, v3;
	v7 =	vunpack.i.u.s16.s32 v12;
	v8 =	vunpack.i.l.s16.s32 v12;
	v3 =	vld [tilespmem:s20+$0x60]  }
0x5a: {  	v10 =	vpack.i.b32.b16 v9, v10;
	v6 =	vld [tilespmem:s20+$0xFFFFE000];
	[tilespmem:s16+$0xFFFFFFB0] =	vst v13;
	v9 =	vunpack.i.u.s16.s32 v11;
	v11 =	vunpack.i.l.s16.s32 v11;
	s20 =	sadd.s32 $0x80, s20  }
.Ltmp4:
0x5b: {  	_ = 	snop;
	(pc) =	sbr.rel .LBB1_4-.Ltmp4, $1  }
0x5c: {  	_ =	sdelay $0x3  }
.LBB1_6:
0x5d: {  	_ =	sfence.sel $0x180000  }
0x5e: {  	s2 =	simm.s32 $0x1;
	[bflag:$0x0] =	sbarrier.arrive $0xFFFF  }
0x5f: {  	s31 =	simm.s32 $0x2;
	[sflag:s2] =	ssyncpa.u1 $0x1  }
0x60: {  	[sflag:s31] =	ssyncpa.u1 $0x1  }
0x61: {  	p0 =	sne.s32 s0, $0x0;
	_ =	strace $0x90000047  }
0x62: {  	s0 =	sadd.s32 @!p0 $0x100000, s1;
	[bflag:$0x2] =	sbarrier.arrive $0xFFFF  }
0x63: {  	[sflag:s0] =	ssyncadd.tile.s32 @!p0 $0x1;
	_ =	shalt  }
.Lfunc_end1:
_tile_overlayer_lowered:
.L_overlay_start_2:
0x64: {  	(tag) =	ssettag $0x2  }
0x65: {  	s0 =	rddreg [dreg:$0x0];
	s2 =	stileid.u32  }
0x66: {  	s1 =	rddreg [dreg:$0x1];
	p0 =	sne.s32 s2, $0x0  }
0x67: {  	s3 =	rddreg [dreg:$0x2];
	[bflag:$0x3] =	sbarrier.arrive $0xFFFF;
	s2 =	simm.s32 @!p0 $0x1C01  }
0x68: {  	[timem:s3], [sflag:s2] =	dma.local @!p0 [hbm:s0], s1  }
0x69: {  	s0 =	simm.s32 @!p0 $0x1  }
0x6a: {  	_ =	swait.ge @!p0 [sflag:s0], s1  }
0x6b: {  	s1 =	ssub.s32 @!p0 $0x0, s1;
	[sflag:s0] =	ssyncset.done @!p0 $0x0  }
0x6c: {  	[sflag:s0] =	ssyncadd.s32 @!p0 s1  }
0x6d: {  	[bflag:$0x3] =	sbarrier.arrive $0xFFFF  }
0x6e: {  	_ =	shalt  }

</sc_bundles>
